<compile_context>
chip_gen: v7x
topology: tpu7x:2x2x1
jax: 0.10.2.dev20260603
libtpu: 0.0.44.dev20260713+nightly
codegen_flags: <defaults>
</compile_context>

<pallas_src>
import functools

import jax
import jax.numpy as jnp
import numpy as np
from jax import lax
from jax.experimental import pallas as pl
from jax.experimental.pallas import tpu as pltpu
from jax.experimental.pallas import tpu_sc as plsc

_NUM_CORES = 2
_NUM_SUBCORES = 16
_NW = _NUM_CORES * _NUM_SUBCORES

_CHUNK = 8
_NBUF = 4


@functools.cache
def _make_gather(B: int, D: int):
    assert B % _NW == 0
    rows_per_w = B // _NW
    assert rows_per_w % _CHUNK == 0
    num_chunks = rows_per_w // _CHUNK
    mesh = plsc.VectorSubcoreMesh(core_axis_name="c", subcore_axis_name="s")

    assert num_chunks % _NBUF == 0 and num_chunks // _NBUF >= 2

    @functools.partial(
        pl.kernel,
        mesh=mesh,
        out_type=jax.ShapeDtypeStruct((B, D), jnp.float32),
        scratch_types=[
            pltpu.VMEM((rows_per_w,), jnp.int32),
        ]
        + [pltpu.VMEM((_CHUNK, D), jnp.float32)] * _NBUF
        + [pltpu.SemaphoreType.DMA] * (2 * _NBUF),
    )
    def gather_kernel(table_hbm, idx_hbm, out_hbm, idx_v, *bufs_and_sems):
        bufs = bufs_and_sems[:_NBUF]
        gsems = bufs_and_sems[_NBUF : 2 * _NBUF]
        ssems = bufs_and_sems[2 * _NBUF :]
        wid = lax.axis_index("s") * _NUM_CORES + lax.axis_index("c")
        base = wid * rows_per_w
        pltpu.sync_copy(idx_hbm.at[pl.ds(base, rows_per_w)], idx_v)

        def gather_copy(g, b):
            return pltpu.make_async_copy(
                table_hbm.at[idx_v.at[pl.ds(g * _CHUNK, _CHUNK)]], bufs[b], gsems[b]
            )

        def store_copy(g, b):
            return pltpu.make_async_copy(
                bufs[b], out_hbm.at[pl.ds(base + g * _CHUNK, _CHUNK)], ssems[b]
            )

        gather_copy(0, 0).start()
        gather_copy(1, 1).start()
        for g in (0, 1):
            gather_copy(g, g % _NBUF).wait()
            store_copy(g, g % _NBUF).start()
            gather_copy(g + 2, (g + 2) % _NBUF).start()

        def steady(i, carry):
            for j in range(_NBUF):
                g = _NBUF * i + 2 + j
                b = (2 + j) % _NBUF
                gather_copy(g, b).wait()
                store_copy(g, b).start()
                store_copy(g - 2, (b + 2) % _NBUF).wait()
                gather_copy(g + 2, (b + 2) % _NBUF).start()
            return carry

        lax.fori_loop(0, (num_chunks - 4) // _NBUF, steady, 0)

        for g in (num_chunks - 2, num_chunks - 1):
            b = g % _NBUF
            gather_copy(g, b).wait()
            store_copy(g, b).start()
            store_copy(g - 2, (b + 2) % _NBUF).wait()
        for g in (num_chunks - 2, num_chunks - 1):
            store_copy(g, g % _NBUF).wait()

    return gather_kernel


def kernel(inputs):
    B, D = inputs.shape
    idx = jax.random.permutation(jax.random.key(42), B).astype(jnp.int32)
    return _make_gather(B, D)(inputs, idx)

# --- scband reference (transcript-rebuilt; emitter-appended) ---
"""Pipeline reference for scband-shuffle-batch-18202071400763 (READ-ONLY COPY).

The authoritative reference and input builder live on the scoring server;
editing this copy changes nothing except your own understanding.
"""

import jax, jax.numpy as jnp
import numpy as np

def setup_inputs(seed: int = 0) -> dict:
    key = jax.random.key(seed)
    inputs = jax.random.normal(key, (16384, 2048), dtype=jnp.float32)
    return {"inputs": inputs}

def reference(inputs):
    # tf.gather_nd(inputs, tf.random.shuffle(tf.range(N))[:, None]) == inputs[perm]
    # randomness made deterministic with a fixed key
    perm = jax.random.permutation(jax.random.key(42), inputs.shape[0])
    return jnp.take(inputs, perm, axis=0)

if __name__ == "__main__":
    import jax
    _d = setup_inputs()
    print(jax.jit(kernel)(*tuple(_d.values())))

</pallas_src>

<mosaic_0001>
#map = affine_map<(d0, d1) -> (0, 0)>
#map1 = affine_map<(d0, d1) -> (0)>
module attributes {stable_mosaic.version = 14 : i64} {
  func.func @gather_kernel(%arg0: i32, %arg1: i32, %arg2: memref<16384x2048xf32, #tpu.memory_space<hbm>>, %arg3: memref<16384xi32, #tpu.memory_space<hbm>>, %arg4: memref<16384x2048xf32, #tpu.memory_space<hbm>>, %arg5: memref<512xi32, #tpu.memory_space<vmem>>, %arg6: memref<8x2048xf32, #tpu.memory_space<vmem>>, %arg7: memref<8x2048xf32, #tpu.memory_space<vmem>>, %arg8: memref<8x2048xf32, #tpu.memory_space<vmem>>, %arg9: memref<8x2048xf32, #tpu.memory_space<vmem>>, %arg10: memref<!tpu.dma_semaphore, #tpu.memory_space<semaphore_mem>>, %arg11: memref<!tpu.dma_semaphore, #tpu.memory_space<semaphore_mem>>, %arg12: memref<!tpu.dma_semaphore, #tpu.memory_space<semaphore_mem>>, %arg13: memref<!tpu.dma_semaphore, #tpu.memory_space<semaphore_mem>>, %arg14: memref<!tpu.dma_semaphore, #tpu.memory_space<semaphore_mem>>, %arg15: memref<!tpu.dma_semaphore, #tpu.memory_space<semaphore_mem>>, %arg16: memref<!tpu.dma_semaphore, #tpu.memory_space<semaphore_mem>>, %arg17: memref<!tpu.dma_semaphore, #tpu.memory_space<semaphore_mem>>) attributes {dimension_semantics = [#tpu.dimension_semantics<core_parallel>, #tpu.dimension_semantics<subcore_parallel>], iteration_bounds = array<i64: 2, 16>, scalar_prefetch = 0 : i64, scratch_operands = 13 : i64, tpu.core_type = #tpu.core_type<sc_vector_subcore>, window_params = [{transform_indices = #map}, {transform_indices = #map1}, {transform_indices = #map}]} {
    %mul3A = arith.constant 2 : i32
    %mul3A_0 = arith.muli %arg1, %mul3A : i32
    %add3A = arith.addi %mul3A_0, %arg0 : i32
    %mul3A_1 = arith.constant 512 : i32
    %mul3A_2 = arith.muli %add3A, %mul3A_1 : i32
    "tpu.region"() ({
      %run_scoped3A = tpu.sem_alloc : memref<!tpu.dma_semaphore, #tpu.memory_space<semaphore_mem>>
      %dma_start3A_94 = tpu.memref_slice %arg3[%mul3A_2] : memref<16384xi32, #tpu.memory_space<hbm>> -> memref<512xi32, #tpu.memory_space<hbm>>
      %dma_start3A_95 = tpu.memref_slice %arg3[%mul3A_2] : memref<16384xi32, #tpu.memory_space<hbm>> -> memref<512xi32, #tpu.memory_space<hbm>>
      tpu.enqueue_dma source(%dma_start3A_95 : memref<512xi32, #tpu.memory_space<hbm>>) target(%arg5 : memref<512xi32, #tpu.memory_space<vmem>>) target_semaphore(%run_scoped3A : memref<!tpu.dma_semaphore, #tpu.memory_space<semaphore_mem>>)
      %dma_wait3A_96 = tpu.memref_slice %arg3[%mul3A_2] : memref<16384xi32, #tpu.memory_space<hbm>> -> memref<512xi32, #tpu.memory_space<hbm>>
      %dma_wait3A_97 = tpu.memref_slice %arg3[%mul3A_2] : memref<16384xi32, #tpu.memory_space<hbm>> -> memref<512xi32, #tpu.memory_space<hbm>>
      tpu.wait_dma2 semaphore(%run_scoped3A : memref<!tpu.dma_semaphore, #tpu.memory_space<semaphore_mem>>) src(%dma_wait3A_97 : memref<512xi32, #tpu.memory_space<hbm>>) dst(%arg5 : memref<512xi32, #tpu.memory_space<vmem>>)
      tpu.yield
    }) : () -> ()
    %dma_start3A = arith.constant 0 : i32
    %dma_start3A_3 = tpu.memref_slice %arg5[%dma_start3A] : memref<512xi32, #tpu.memory_space<vmem>> -> memref<8xi32, #tpu.memory_space<vmem>>
    %dma_start3A_4 = arith.constant 0 : i32
    %dma_start3A_5 = arith.constant 0 : i32
    %dma_start3A_6 = tpu.memref_slice %arg2[%dma_start3A_4, %dma_start3A_5] : memref<16384x2048xf32, #tpu.memory_space<hbm>> -> memref<16384x2048xf32, #tpu.memory_space<hbm>>
    tpu.enqueue_indirect_dma source(%dma_start3A_6 : memref<16384x2048xf32, #tpu.memory_space<hbm>>) target(%arg6 : memref<8x2048xf32, #tpu.memory_space<vmem>>) offsets(%dma_start3A_3 : memref<8xi32, #tpu.memory_space<vmem>>) semaphore(%arg10 : memref<!tpu.dma_semaphore, #tpu.memory_space<semaphore_mem>>)
    %dma_start3A_7 = arith.constant 8 : i32
    %dma_start3A_8 = tpu.memref_slice %arg5[%dma_start3A_7] : memref<512xi32, #tpu.memory_space<vmem>> -> memref<8xi32, #tpu.memory_space<vmem>>
    %dma_start3A_9 = arith.constant 0 : i32
    %dma_start3A_10 = arith.constant 0 : i32
    %dma_start3A_11 = tpu.memref_slice %arg2[%dma_start3A_9, %dma_start3A_10] : memref<16384x2048xf32, #tpu.memory_space<hbm>> -> memref<16384x2048xf32, #tpu.memory_space<hbm>>
    tpu.enqueue_indirect_dma source(%dma_start3A_11 : memref<16384x2048xf32, #tpu.memory_space<hbm>>) target(%arg7 : memref<8x2048xf32, #tpu.memory_space<vmem>>) offsets(%dma_start3A_8 : memref<8xi32, #tpu.memory_space<vmem>>) semaphore(%arg11 : memref<!tpu.dma_semaphore, #tpu.memory_space<semaphore_mem>>)
    %dma_wait3A = arith.constant 0 : i32
    %dma_wait3A_12 = tpu.memref_slice %arg5[%dma_wait3A] : memref<512xi32, #tpu.memory_space<vmem>> -> memref<8xi32, #tpu.memory_space<vmem>>
    %dma_wait3A_13 = arith.constant 0 : i32
    %dma_wait3A_14 = arith.constant 0 : i32
    %dma_wait3A_15 = tpu.memref_slice %arg2[%dma_wait3A_13, %dma_wait3A_14] : memref<16384x2048xf32, #tpu.memory_space<hbm>> -> memref<16384x2048xf32, #tpu.memory_space<hbm>>
    tpu.wait_indirect_dma semaphore(%arg10 : memref<!tpu.dma_semaphore, #tpu.memory_space<semaphore_mem>>) src(%dma_wait3A_15 : memref<16384x2048xf32, #tpu.memory_space<hbm>>) dst(%arg6 : memref<8x2048xf32, #tpu.memory_space<vmem>>)
    %add3A_16 = arith.constant 0 : i32
    %add3A_17 = arith.addi %mul3A_2, %add3A_16 : i32
    %dma_start3A_18 = arith.constant 0 : i32
    %dma_start3A_19 = tpu.memref_slice %arg4[%add3A_17, %dma_start3A_18] : memref<16384x2048xf32, #tpu.memory_space<hbm>> -> memref<8x2048xf32, #tpu.memory_space<hbm>>
    %dma_start3A_20 = arith.constant 0 : i32
    %dma_start3A_21 = tpu.memref_slice %arg4[%add3A_17, %dma_start3A_20] : memref<16384x2048xf32, #tpu.memory_space<hbm>> -> memref<8x2048xf32, #tpu.memory_space<hbm>>
    tpu.enqueue_dma source(%arg6 : memref<8x2048xf32, #tpu.memory_space<vmem>>) target(%dma_start3A_21 : memref<8x2048xf32, #tpu.memory_space<hbm>>) target_semaphore(%arg14 : memref<!tpu.dma_semaphore, #tpu.memory_space<semaphore_mem>>)
    %dma_start3A_22 = arith.constant 16 : i32
    %dma_start3A_23 = tpu.memref_slice %arg5[%dma_start3A_22] : memref<512xi32, #tpu.memory_space<vmem>> -> memref<8xi32, #tpu.memory_space<vmem>>
    %dma_start3A_24 = arith.constant 0 : i32
    %dma_start3A_25 = arith.constant 0 : i32
    %dma_start3A_26 = tpu.memref_slice %arg2[%dma_start3A_24, %dma_start3A_25] : memref<16384x2048xf32, #tpu.memory_space<hbm>> -> memref<16384x2048xf32, #tpu.memory_space<hbm>>
    tpu.enqueue_indirect_dma source(%dma_start3A_26 : memref<16384x2048xf32, #tpu.memory_space<hbm>>) target(%arg8 : memref<8x2048xf32, #tpu.memory_space<vmem>>) offsets(%dma_start3A_23 : memref<8xi32, #tpu.memory_space<vmem>>) semaphore(%arg12 : memref<!tpu.dma_semaphore, #tpu.memory_space<semaphore_mem>>)
    %dma_wait3A_27 = arith.constant 8 : i32
    %dma_wait3A_28 = tpu.memref_slice %arg5[%dma_wait3A_27] : memref<512xi32, #tpu.memory_space<vmem>> -> memref<8xi32, #tpu.memory_space<vmem>>
    %dma_wait3A_29 = arith.constant 0 : i32
    %dma_wait3A_30 = arith.constant 0 : i32
    %dma_wait3A_31 = tpu.memref_slice %arg2[%dma_wait3A_29, %dma_wait3A_30] : memref<16384x2048xf32, #tpu.memory_space<hbm>> -> memref<16384x2048xf32, #tpu.memory_space<hbm>>
    tpu.wait_indirect_dma semaphore(%arg11 : memref<!tpu.dma_semaphore, #tpu.memory_space<semaphore_mem>>) src(%dma_wait3A_31 : memref<16384x2048xf32, #tpu.memory_space<hbm>>) dst(%arg7 : memref<8x2048xf32, #tpu.memory_space<vmem>>)
    %add3A_32 = arith.constant 8 : i32
    %add3A_33 = arith.addi %mul3A_2, %add3A_32 : i32
    %dma_start3A_34 = arith.constant 0 : i32
    %dma_start3A_35 = tpu.memref_slice %arg4[%add3A_33, %dma_start3A_34] : memref<16384x2048xf32, #tpu.memory_space<hbm>> -> memref<8x2048xf32, #tpu.memory_space<hbm>>
    %dma_start3A_36 = arith.constant 0 : i32
    %dma_start3A_37 = tpu.memref_slice %arg4[%add3A_33, %dma_start3A_36] : memref<16384x2048xf32, #tpu.memory_space<hbm>> -> memref<8x2048xf32, #tpu.memory_space<hbm>>
    tpu.enqueue_dma source(%arg7 : memref<8x2048xf32, #tpu.memory_space<vmem>>) target(%dma_start3A_37 : memref<8x2048xf32, #tpu.memory_space<hbm>>) target_semaphore(%arg15 : memref<!tpu.dma_semaphore, #tpu.memory_space<semaphore_mem>>)
    %dma_start3A_38 = arith.constant 24 : i32
    %dma_start3A_39 = tpu.memref_slice %arg5[%dma_start3A_38] : memref<512xi32, #tpu.memory_space<vmem>> -> memref<8xi32, #tpu.memory_space<vmem>>
    %dma_start3A_40 = arith.constant 0 : i32
    %dma_start3A_41 = arith.constant 0 : i32
    %dma_start3A_42 = tpu.memref_slice %arg2[%dma_start3A_40, %dma_start3A_41] : memref<16384x2048xf32, #tpu.memory_space<hbm>> -> memref<16384x2048xf32, #tpu.memory_space<hbm>>
    tpu.enqueue_indirect_dma source(%dma_start3A_42 : memref<16384x2048xf32, #tpu.memory_space<hbm>>) target(%arg9 : memref<8x2048xf32, #tpu.memory_space<vmem>>) offsets(%dma_start3A_39 : memref<8xi32, #tpu.memory_space<vmem>>) semaphore(%arg13 : memref<!tpu.dma_semaphore, #tpu.memory_space<semaphore_mem>>)
    %scan3A = arith.constant 0 : i32
    %scan3A_43 = arith.constant 0 : i32
    %scan3A_44 = arith.constant 15 : i32
    %scan3A_45 = arith.addi %scan3A_43, %scan3A_44 : i32
    %scan3A_46 = arith.constant 1 : i32
    scf.for %scan3A_94 = %scan3A_43 to %scan3A_45 step %scan3A_46  : i32 {
      %mul3A_95 = arith.constant 4 : i32
      %mul3A_96 = arith.muli %mul3A_95, %scan3A_94 : i32
      %add3A_97 = arith.constant 2 : i32
      %add3A_98 = arith.addi %mul3A_96, %add3A_97 : i32
      %add3A_99 = arith.constant 0 : i32
      %add3A_100 = arith.addi %add3A_98, %add3A_99 : i32
      %mul3A_101 = arith.constant 8 : i32
      %mul3A_102 = arith.muli %add3A_100, %mul3A_101 : i32
      %dma_wait3A_103 = tpu.memref_slice %arg5[%mul3A_102] : memref<512xi32, #tpu.memory_space<vmem>> -> memref<8xi32, #tpu.memory_space<vmem>>
      %dma_wait3A_104 = arith.constant 0 : i32
      %dma_wait3A_105 = arith.constant 0 : i32
      %dma_wait3A_106 = tpu.memref_slice %arg2[%dma_wait3A_104, %dma_wait3A_105] : memref<16384x2048xf32, #tpu.memory_space<hbm>> -> memref<16384x2048xf32, #tpu.memory_space<hbm>>
      tpu.wait_indirect_dma semaphore(%arg12 : memref<!tpu.dma_semaphore, #tpu.memory_space<semaphore_mem>>) src(%dma_wait3A_106 : memref<16384x2048xf32, #tpu.memory_space<hbm>>) dst(%arg8 : memref<8x2048xf32, #tpu.memory_space<vmem>>)
      %mul3A_107 = arith.constant 8 : i32
      %mul3A_108 = arith.muli %add3A_100, %mul3A_107 : i32
      %add3A_109 = arith.addi %mul3A_2, %mul3A_108 : i32
      %dma_start3A_110 = arith.constant 0 : i32
      %dma_start3A_111 = tpu.memref_slice %arg4[%add3A_109, %dma_start3A_110] : memref<16384x2048xf32, #tpu.memory_space<hbm>> -> memref<8x2048xf32, #tpu.memory_space<hbm>>
      %dma_start3A_112 = arith.constant 0 : i32
      %dma_start3A_113 = tpu.memref_slice %arg4[%add3A_109, %dma_start3A_112] : memref<16384x2048xf32, #tpu.memory_space<hbm>> -> memref<8x2048xf32, #tpu.memory_space<hbm>>
      tpu.enqueue_dma source(%arg8 : memref<8x2048xf32, #tpu.memory_space<vmem>>) target(%dma_start3A_113 : memref<8x2048xf32, #tpu.memory_space<hbm>>) target_semaphore(%arg16 : memref<!tpu.dma_semaphore, #tpu.memory_space<semaphore_mem>>)
      %sub3A = arith.constant 2 : i32
      %sub3A_114 = arith.subi %add3A_100, %sub3A : i32
      %mul3A_115 = arith.constant 8 : i32
      %mul3A_116 = arith.muli %sub3A_114, %mul3A_115 : i32
      %add3A_117 = arith.addi %mul3A_2, %mul3A_116 : i32
      %dma_wait3A_118 = arith.constant 0 : i32
      %dma_wait3A_119 = tpu.memref_slice %arg4[%add3A_117, %dma_wait3A_118] : memref<16384x2048xf32, #tpu.memory_space<hbm>> -> memref<8x2048xf32, #tpu.memory_space<hbm>>
      %dma_wait3A_120 = arith.constant 0 : i32
      %dma_wait3A_121 = tpu.memref_slice %arg4[%add3A_117, %dma_wait3A_120] : memref<16384x2048xf32, #tpu.memory_space<hbm>> -> memref<8x2048xf32, #tpu.memory_space<hbm>>
      tpu.wait_dma2 semaphore(%arg14 : memref<!tpu.dma_semaphore, #tpu.memory_space<semaphore_mem>>) src(%arg6 : memref<8x2048xf32, #tpu.memory_space<vmem>>) dst(%dma_wait3A_121 : memref<8x2048xf32, #tpu.memory_space<hbm>>)
      %add3A_122 = arith.constant 2 : i32
      %add3A_123 = arith.addi %add3A_100, %add3A_122 : i32
      %mul3A_124 = arith.constant 8 : i32
      %mul3A_125 = arith.muli %add3A_123, %mul3A_124 : i32
      %dma_start3A_126 = tpu.memref_slice %arg5[%mul3A_125] : memref<512xi32, #tpu.memory_space<vmem>> -> memref<8xi32, #tpu.memory_space<vmem>>
      %dma_start3A_127 = arith.constant 0 : i32
      %dma_start3A_128 = arith.constant 0 : i32
      %dma_start3A_129 = tpu.memref_slice %arg2[%dma_start3A_127, %dma_start3A_128] : memref<16384x2048xf32, #tpu.memory_space<hbm>> -> memref<16384x2048xf32, #tpu.memory_space<hbm>>
      tpu.enqueue_indirect_dma source(%dma_start3A_129 : memref<16384x2048xf32, #tpu.memory_space<hbm>>) target(%arg6 : memref<8x2048xf32, #tpu.memory_space<vmem>>) offsets(%dma_start3A_126 : memref<8xi32, #tpu.memory_space<vmem>>) semaphore(%arg10 : memref<!tpu.dma_semaphore, #tpu.memory_space<semaphore_mem>>)
      %mul3A_130 = arith.constant 4 : i32
      %mul3A_131 = arith.muli %mul3A_130, %scan3A_94 : i32
      %add3A_132 = arith.constant 2 : i32
      %add3A_133 = arith.addi %mul3A_131, %add3A_132 : i32
      %add3A_134 = arith.constant 1 : i32
      %add3A_135 = arith.addi %add3A_133, %add3A_134 : i32
      %mul3A_136 = arith.constant 8 : i32
      %mul3A_137 = arith.muli %add3A_135, %mul3A_136 : i32
      %dma_wait3A_138 = tpu.memref_slice %arg5[%mul3A_137] : memref<512xi32, #tpu.memory_space<vmem>> -> memref<8xi32, #tpu.memory_space<vmem>>
      %dma_wait3A_139 = arith.constant 0 : i32
      %dma_wait3A_140 = arith.constant 0 : i32
      %dma_wait3A_141 = tpu.memref_slice %arg2[%dma_wait3A_139, %dma_wait3A_140] : memref<16384x2048xf32, #tpu.memory_space<hbm>> -> memref<16384x2048xf32, #tpu.memory_space<hbm>>
      tpu.wait_indirect_dma semaphore(%arg13 : memref<!tpu.dma_semaphore, #tpu.memory_space<semaphore_mem>>) src(%dma_wait3A_141 : memref<16384x2048xf32, #tpu.memory_space<hbm>>) dst(%arg9 : memref<8x2048xf32, #tpu.memory_space<vmem>>)
      %mul3A_142 = arith.constant 8 : i32
      %mul3A_143 = arith.muli %add3A_135, %mul3A_142 : i32
      %add3A_144 = arith.addi %mul3A_2, %mul3A_143 : i32
      %dma_start3A_145 = arith.constant 0 : i32
      %dma_start3A_146 = tpu.memref_slice %arg4[%add3A_144, %dma_start3A_145] : memref<16384x2048xf32, #tpu.memory_space<hbm>> -> memref<8x2048xf32, #tpu.memory_space<hbm>>
      %dma_start3A_147 = arith.constant 0 : i32
      %dma_start3A_148 = tpu.memref_slice %arg4[%add3A_144, %dma_start3A_147] : memref<16384x2048xf32, #tpu.memory_space<hbm>> -> memref<8x2048xf32, #tpu.memory_space<hbm>>
      tpu.enqueue_dma source(%arg9 : memref<8x2048xf32, #tpu.memory_space<vmem>>) target(%dma_start3A_148 : memref<8x2048xf32, #tpu.memory_space<hbm>>) target_semaphore(%arg17 : memref<!tpu.dma_semaphore, #tpu.memory_space<semaphore_mem>>)
      %sub3A_149 = arith.constant 2 : i32
      %sub3A_150 = arith.subi %add3A_135, %sub3A_149 : i32
      %mul3A_151 = arith.constant 8 : i32
      %mul3A_152 = arith.muli %sub3A_150, %mul3A_151 : i32
      %add3A_153 = arith.addi %mul3A_2, %mul3A_152 : i32
      %dma_wait3A_154 = arith.constant 0 : i32
      %dma_wait3A_155 = tpu.memref_slice %arg4[%add3A_153, %dma_wait3A_154] : memref<16384x2048xf32, #tpu.memory_space<hbm>> -> memref<8x2048xf32, #tpu.memory_space<hbm>>
      %dma_wait3A_156 = arith.constant 0 : i32
      %dma_wait3A_157 = tpu.memref_slice %arg4[%add3A_153, %dma_wait3A_156] : memref<16384x2048xf32, #tpu.memory_space<hbm>> -> memref<8x2048xf32, #tpu.memory_space<hbm>>
      tpu.wait_dma2 semaphore(%arg15 : memref<!tpu.dma_semaphore, #tpu.memory_space<semaphore_mem>>) src(%arg7 : memref<8x2048xf32, #tpu.memory_space<vmem>>) dst(%dma_wait3A_157 : memref<8x2048xf32, #tpu.memory_space<hbm>>)
      %add3A_158 = arith.constant 2 : i32
      %add3A_159 = arith.addi %add3A_135, %add3A_158 : i32
      %mul3A_160 = arith.constant 8 : i32
      %mul3A_161 = arith.muli %add3A_159, %mul3A_160 : i32
      %dma_start3A_162 = tpu.memref_slice %arg5[%mul3A_161] : memref<512xi32, #tpu.memory_space<vmem>> -> memref<8xi32, #tpu.memory_space<vmem>>
      %dma_start3A_163 = arith.constant 0 : i32
      %dma_start3A_164 = arith.constant 0 : i32
      %dma_start3A_165 = tpu.memref_slice %arg2[%dma_start3A_163, %dma_start3A_164] : memref<16384x2048xf32, #tpu.memory_space<hbm>> -> memref<16384x2048xf32, #tpu.memory_space<hbm>>
      tpu.enqueue_indirect_dma source(%dma_start3A_165 : memref<16384x2048xf32, #tpu.memory_space<hbm>>) target(%arg7 : memref<8x2048xf32, #tpu.memory_space<vmem>>) offsets(%dma_start3A_162 : memref<8xi32, #tpu.memory_space<vmem>>) semaphore(%arg11 : memref<!tpu.dma_semaphore, #tpu.memory_space<semaphore_mem>>)
      %mul3A_166 = arith.constant 4 : i32
      %mul3A_167 = arith.muli %mul3A_166, %scan3A_94 : i32
      %add3A_168 = arith.constant 2 : i32
      %add3A_169 = arith.addi %mul3A_167, %add3A_168 : i32
      %add3A_170 = arith.constant 2 : i32
      %add3A_171 = arith.addi %add3A_169, %add3A_170 : i32
      %mul3A_172 = arith.constant 8 : i32
      %mul3A_173 = arith.muli %add3A_171, %mul3A_172 : i32
      %dma_wait3A_174 = tpu.memref_slice %arg5[%mul3A_173] : memref<512xi32, #tpu.memory_space<vmem>> -> memref<8xi32, #tpu.memory_space<vmem>>
      %dma_wait3A_175 = arith.constant 0 : i32
      %dma_wait3A_176 = arith.constant 0 : i32
      %dma_wait3A_177 = tpu.memref_slice %arg2[%dma_wait3A_175, %dma_wait3A_176] : memref<16384x2048xf32, #tpu.memory_space<hbm>> -> memref<16384x2048xf32, #tpu.memory_space<hbm>>
      tpu.wait_indirect_dma semaphore(%arg10 : memref<!tpu.dma_semaphore, #tpu.memory_space<semaphore_mem>>) src(%dma_wait3A_177 : memref<16384x2048xf32, #tpu.memory_space<hbm>>) dst(%arg6 : memref<8x2048xf32, #tpu.memory_space<vmem>>)
      %mul3A_178 = arith.constant 8 : i32
      %mul3A_179 = arith.muli %add3A_171, %mul3A_178 : i32
      %add3A_180 = arith.addi %mul3A_2, %mul3A_179 : i32
      %dma_start3A_181 = arith.constant 0 : i32
      %dma_start3A_182 = tpu.memref_slice %arg4[%add3A_180, %dma_start3A_181] : memref<16384x2048xf32, #tpu.memory_space<hbm>> -> memref<8x2048xf32, #tpu.memory_space<hbm>>
      %dma_start3A_183 = arith.constant 0 : i32
      %dma_start3A_184 = tpu.memref_slice %arg4[%add3A_180, %dma_start3A_183] : memref<16384x2048xf32, #tpu.memory_space<hbm>> -> memref<8x2048xf32, #tpu.memory_space<hbm>>
      tpu.enqueue_dma source(%arg6 : memref<8x2048xf32, #tpu.memory_space<vmem>>) target(%dma_start3A_184 : memref<8x2048xf32, #tpu.memory_space<hbm>>) target_semaphore(%arg14 : memref<!tpu.dma_semaphore, #tpu.memory_space<semaphore_mem>>)
      %sub3A_185 = arith.constant 2 : i32
      %sub3A_186 = arith.subi %add3A_171, %sub3A_185 : i32
      %mul3A_187 = arith.constant 8 : i32
      %mul3A_188 = arith.muli %sub3A_186, %mul3A_187 : i32
      %add3A_189 = arith.addi %mul3A_2, %mul3A_188 : i32
      %dma_wait3A_190 = arith.constant 0 : i32
      %dma_wait3A_191 = tpu.memref_slice %arg4[%add3A_189, %dma_wait3A_190] : memref<16384x2048xf32, #tpu.memory_space<hbm>> -> memref<8x2048xf32, #tpu.memory_space<hbm>>
      %dma_wait3A_192 = arith.constant 0 : i32
      %dma_wait3A_193 = tpu.memref_slice %arg4[%add3A_189, %dma_wait3A_192] : memref<16384x2048xf32, #tpu.memory_space<hbm>> -> memref<8x2048xf32, #tpu.memory_space<hbm>>
      tpu.wait_dma2 semaphore(%arg16 : memref<!tpu.dma_semaphore, #tpu.memory_space<semaphore_mem>>) src(%arg8 : memref<8x2048xf32, #tpu.memory_space<vmem>>) dst(%dma_wait3A_193 : memref<8x2048xf32, #tpu.memory_space<hbm>>)
      %add3A_194 = arith.constant 2 : i32
      %add3A_195 = arith.addi %add3A_171, %add3A_194 : i32
      %mul3A_196 = arith.constant 8 : i32
      %mul3A_197 = arith.muli %add3A_195, %mul3A_196 : i32
      %dma_start3A_198 = tpu.memref_slice %arg5[%mul3A_197] : memref<512xi32, #tpu.memory_space<vmem>> -> memref<8xi32, #tpu.memory_space<vmem>>
      %dma_start3A_199 = arith.constant 0 : i32
      %dma_start3A_200 = arith.constant 0 : i32
      %dma_start3A_201 = tpu.memref_slice %arg2[%dma_start3A_199, %dma_start3A_200] : memref<16384x2048xf32, #tpu.memory_space<hbm>> -> memref<16384x2048xf32, #tpu.memory_space<hbm>>
      tpu.enqueue_indirect_dma source(%dma_start3A_201 : memref<16384x2048xf32, #tpu.memory_space<hbm>>) target(%arg8 : memref<8x2048xf32, #tpu.memory_space<vmem>>) offsets(%dma_start3A_198 : memref<8xi32, #tpu.memory_space<vmem>>) semaphore(%arg12 : memref<!tpu.dma_semaphore, #tpu.memory_space<semaphore_mem>>)
      %mul3A_202 = arith.constant 4 : i32
      %mul3A_203 = arith.muli %mul3A_202, %scan3A_94 : i32
      %add3A_204 = arith.constant 2 : i32
      %add3A_205 = arith.addi %mul3A_203, %add3A_204 : i32
      %add3A_206 = arith.constant 3 : i32
      %add3A_207 = arith.addi %add3A_205, %add3A_206 : i32
      %mul3A_208 = arith.constant 8 : i32
      %mul3A_209 = arith.muli %add3A_207, %mul3A_208 : i32
      %dma_wait3A_210 = tpu.memref_slice %arg5[%mul3A_209] : memref<512xi32, #tpu.memory_space<vmem>> -> memref<8xi32, #tpu.memory_space<vmem>>
      %dma_wait3A_211 = arith.constant 0 : i32
      %dma_wait3A_212 = arith.constant 0 : i32
      %dma_wait3A_213 = tpu.memref_slice %arg2[%dma_wait3A_211, %dma_wait3A_212] : memref<16384x2048xf32, #tpu.memory_space<hbm>> -> memref<16384x2048xf32, #tpu.memory_space<hbm>>
      tpu.wait_indirect_dma semaphore(%arg11 : memref<!tpu.dma_semaphore, #tpu.memory_space<semaphore_mem>>) src(%dma_wait3A_213 : memref<16384x2048xf32, #tpu.memory_space<hbm>>) dst(%arg7 : memref<8x2048xf32, #tpu.memory_space<vmem>>)
      %mul3A_214 = arith.constant 8 : i32
      %mul3A_215 = arith.muli %add3A_207, %mul3A_214 : i32
      %add3A_216 = arith.addi %mul3A_2, %mul3A_215 : i32
      %dma_start3A_217 = arith.constant 0 : i32
      %dma_start3A_218 = tpu.memref_slice %arg4[%add3A_216, %dma_start3A_217] : memref<16384x2048xf32, #tpu.memory_space<hbm>> -> memref<8x2048xf32, #tpu.memory_space<hbm>>
      %dma_start3A_219 = arith.constant 0 : i32
      %dma_start3A_220 = tpu.memref_slice %arg4[%add3A_216, %dma_start3A_219] : memref<16384x2048xf32, #tpu.memory_space<hbm>> -> memref<8x2048xf32, #tpu.memory_space<hbm>>
      tpu.enqueue_dma source(%arg7 : memref<8x2048xf32, #tpu.memory_space<vmem>>) target(%dma_start3A_220 : memref<8x2048xf32, #tpu.memory_space<hbm>>) target_semaphore(%arg15 : memref<!tpu.dma_semaphore, #tpu.memory_space<semaphore_mem>>)
      %sub3A_221 = arith.constant 2 : i32
      %sub3A_222 = arith.subi %add3A_207, %sub3A_221 : i32
      %mul3A_223 = arith.constant 8 : i32
      %mul3A_224 = arith.muli %sub3A_222, %mul3A_223 : i32
      %add3A_225 = arith.addi %mul3A_2, %mul3A_224 : i32
      %dma_wait3A_226 = arith.constant 0 : i32
      %dma_wait3A_227 = tpu.memref_slice %arg4[%add3A_225, %dma_wait3A_226] : memref<16384x2048xf32, #tpu.memory_space<hbm>> -> memref<8x2048xf32, #tpu.memory_space<hbm>>
      %dma_wait3A_228 = arith.constant 0 : i32
      %dma_wait3A_229 = tpu.memref_slice %arg4[%add3A_225, %dma_wait3A_228] : memref<16384x2048xf32, #tpu.memory_space<hbm>> -> memref<8x2048xf32, #tpu.memory_space<hbm>>
      tpu.wait_dma2 semaphore(%arg17 : memref<!tpu.dma_semaphore, #tpu.memory_space<semaphore_mem>>) src(%arg9 : memref<8x2048xf32, #tpu.memory_space<vmem>>) dst(%dma_wait3A_229 : memref<8x2048xf32, #tpu.memory_space<hbm>>)
      %add3A_230 = arith.constant 2 : i32
      %add3A_231 = arith.addi %add3A_207, %add3A_230 : i32
      %mul3A_232 = arith.constant 8 : i32
      %mul3A_233 = arith.muli %add3A_231, %mul3A_232 : i32
      %dma_start3A_234 = tpu.memref_slice %arg5[%mul3A_233] : memref<512xi32, #tpu.memory_space<vmem>> -> memref<8xi32, #tpu.memory_space<vmem>>
      %dma_start3A_235 = arith.constant 0 : i32
      %dma_start3A_236 = arith.constant 0 : i32
      %dma_start3A_237 = tpu.memref_slice %arg2[%dma_start3A_235, %dma_start3A_236] : memref<16384x2048xf32, #tpu.memory_space<hbm>> -> memref<16384x2048xf32, #tpu.memory_space<hbm>>
      tpu.enqueue_indirect_dma source(%dma_start3A_237 : memref<16384x2048xf32, #tpu.memory_space<hbm>>) target(%arg9 : memref<8x2048xf32, #tpu.memory_space<vmem>>) offsets(%dma_start3A_234 : memref<8xi32, #tpu.memory_space<vmem>>) semaphore(%arg13 : memref<!tpu.dma_semaphore, #tpu.memory_space<semaphore_mem>>)
    }
    %scan3A_47 = arith.constant 15 : i32
    %dma_wait3A_48 = arith.constant 496 : i32
    %dma_wait3A_49 = tpu.memref_slice %arg5[%dma_wait3A_48] : memref<512xi32, #tpu.memory_space<vmem>> -> memref<8xi32, #tpu.memory_space<vmem>>
    %dma_wait3A_50 = arith.constant 0 : i32
    %dma_wait3A_51 = arith.constant 0 : i32
    %dma_wait3A_52 = tpu.memref_slice %arg2[%dma_wait3A_50, %dma_wait3A_51] : memref<16384x2048xf32, #tpu.memory_space<hbm>> -> memref<16384x2048xf32, #tpu.memory_space<hbm>>
    tpu.wait_indirect_dma semaphore(%arg12 : memref<!tpu.dma_semaphore, #tpu.memory_space<semaphore_mem>>) src(%dma_wait3A_52 : memref<16384x2048xf32, #tpu.memory_space<hbm>>) dst(%arg8 : memref<8x2048xf32, #tpu.memory_space<vmem>>)
    %add3A_53 = arith.constant 496 : i32
    %add3A_54 = arith.addi %mul3A_2, %add3A_53 : i32
    %dma_start3A_55 = arith.constant 0 : i32
    %dma_start3A_56 = tpu.memref_slice %arg4[%add3A_54, %dma_start3A_55] : memref<16384x2048xf32, #tpu.memory_space<hbm>> -> memref<8x2048xf32, #tpu.memory_space<hbm>>
    %dma_start3A_57 = arith.constant 0 : i32
    %dma_start3A_58 = tpu.memref_slice %arg4[%add3A_54, %dma_start3A_57] : memref<16384x2048xf32, #tpu.memory_space<hbm>> -> memref<8x2048xf32, #tpu.memory_space<hbm>>
    tpu.enqueue_dma source(%arg8 : memref<8x2048xf32, #tpu.memory_space<vmem>>) target(%dma_start3A_58 : memref<8x2048xf32, #tpu.memory_space<hbm>>) target_semaphore(%arg16 : memref<!tpu.dma_semaphore, #tpu.memory_space<semaphore_mem>>)
    %add3A_59 = arith.constant 480 : i32
    %add3A_60 = arith.addi %mul3A_2, %add3A_59 : i32
    %dma_wait3A_61 = arith.constant 0 : i32
    %dma_wait3A_62 = tpu.memref_slice %arg4[%add3A_60, %dma_wait3A_61] : memref<16384x2048xf32, #tpu.memory_space<hbm>> -> memref<8x2048xf32, #tpu.memory_space<hbm>>
    %dma_wait3A_63 = arith.constant 0 : i32
    %dma_wait3A_64 = tpu.memref_slice %arg4[%add3A_60, %dma_wait3A_63] : memref<16384x2048xf32, #tpu.memory_space<hbm>> -> memref<8x2048xf32, #tpu.memory_space<hbm>>
    tpu.wait_dma2 semaphore(%arg14 : memref<!tpu.dma_semaphore, #tpu.memory_space<semaphore_mem>>) src(%arg6 : memref<8x2048xf32, #tpu.memory_space<vmem>>) dst(%dma_wait3A_64 : memref<8x2048xf32, #tpu.memory_space<hbm>>)
    %dma_wait3A_65 = arith.constant 504 : i32
    %dma_wait3A_66 = tpu.memref_slice %arg5[%dma_wait3A_65] : memref<512xi32, #tpu.memory_space<vmem>> -> memref<8xi32, #tpu.memory_space<vmem>>
    %dma_wait3A_67 = arith.constant 0 : i32
    %dma_wait3A_68 = arith.constant 0 : i32
    %dma_wait3A_69 = tpu.memref_slice %arg2[%dma_wait3A_67, %dma_wait3A_68] : memref<16384x2048xf32, #tpu.memory_space<hbm>> -> memref<16384x2048xf32, #tpu.memory_space<hbm>>
    tpu.wait_indirect_dma semaphore(%arg13 : memref<!tpu.dma_semaphore, #tpu.memory_space<semaphore_mem>>) src(%dma_wait3A_69 : memref<16384x2048xf32, #tpu.memory_space<hbm>>) dst(%arg9 : memref<8x2048xf32, #tpu.memory_space<vmem>>)
    %add3A_70 = arith.constant 504 : i32
    %add3A_71 = arith.addi %mul3A_2, %add3A_70 : i32
    %dma_start3A_72 = arith.constant 0 : i32
    %dma_start3A_73 = tpu.memref_slice %arg4[%add3A_71, %dma_start3A_72] : memref<16384x2048xf32, #tpu.memory_space<hbm>> -> memref<8x2048xf32, #tpu.memory_space<hbm>>
    %dma_start3A_74 = arith.constant 0 : i32
    %dma_start3A_75 = tpu.memref_slice %arg4[%add3A_71, %dma_start3A_74] : memref<16384x2048xf32, #tpu.memory_space<hbm>> -> memref<8x2048xf32, #tpu.memory_space<hbm>>
    tpu.enqueue_dma source(%arg9 : memref<8x2048xf32, #tpu.memory_space<vmem>>) target(%dma_start3A_75 : memref<8x2048xf32, #tpu.memory_space<hbm>>) target_semaphore(%arg17 : memref<!tpu.dma_semaphore, #tpu.memory_space<semaphore_mem>>)
    %add3A_76 = arith.constant 488 : i32
    %add3A_77 = arith.addi %mul3A_2, %add3A_76 : i32
    %dma_wait3A_78 = arith.constant 0 : i32
    %dma_wait3A_79 = tpu.memref_slice %arg4[%add3A_77, %dma_wait3A_78] : memref<16384x2048xf32, #tpu.memory_space<hbm>> -> memref<8x2048xf32, #tpu.memory_space<hbm>>
    %dma_wait3A_80 = arith.constant 0 : i32
    %dma_wait3A_81 = tpu.memref_slice %arg4[%add3A_77, %dma_wait3A_80] : memref<16384x2048xf32, #tpu.memory_space<hbm>> -> memref<8x2048xf32, #tpu.memory_space<hbm>>
    tpu.wait_dma2 semaphore(%arg15 : memref<!tpu.dma_semaphore, #tpu.memory_space<semaphore_mem>>) src(%arg7 : memref<8x2048xf32, #tpu.memory_space<vmem>>) dst(%dma_wait3A_81 : memref<8x2048xf32, #tpu.memory_space<hbm>>)
    %add3A_82 = arith.constant 496 : i32
    %add3A_83 = arith.addi %mul3A_2, %add3A_82 : i32
    %dma_wait3A_84 = arith.constant 0 : i32
    %dma_wait3A_85 = tpu.memref_slice %arg4[%add3A_83, %dma_wait3A_84] : memref<16384x2048xf32, #tpu.memory_space<hbm>> -> memref<8x2048xf32, #tpu.memory_space<hbm>>
    %dma_wait3A_86 = arith.constant 0 : i32
    %dma_wait3A_87 = tpu.memref_slice %arg4[%add3A_83, %dma_wait3A_86] : memref<16384x2048xf32, #tpu.memory_space<hbm>> -> memref<8x2048xf32, #tpu.memory_space<hbm>>
    tpu.wait_dma2 semaphore(%arg16 : memref<!tpu.dma_semaphore, #tpu.memory_space<semaphore_mem>>) src(%arg8 : memref<8x2048xf32, #tpu.memory_space<vmem>>) dst(%dma_wait3A_87 : memref<8x2048xf32, #tpu.memory_space<hbm>>)
    %add3A_88 = arith.constant 504 : i32
    %add3A_89 = arith.addi %mul3A_2, %add3A_88 : i32
    %dma_wait3A_90 = arith.constant 0 : i32
    %dma_wait3A_91 = tpu.memref_slice %arg4[%add3A_89, %dma_wait3A_90] : memref<16384x2048xf32, #tpu.memory_space<hbm>> -> memref<8x2048xf32, #tpu.memory_space<hbm>>
    %dma_wait3A_92 = arith.constant 0 : i32
    %dma_wait3A_93 = tpu.memref_slice %arg4[%add3A_89, %dma_wait3A_92] : memref<16384x2048xf32, #tpu.memory_space<hbm>> -> memref<8x2048xf32, #tpu.memory_space<hbm>>
    tpu.wait_dma2 semaphore(%arg17 : memref<!tpu.dma_semaphore, #tpu.memory_space<semaphore_mem>>) src(%arg9 : memref<8x2048xf32, #tpu.memory_space<vmem>>) dst(%dma_wait3A_93 : memref<8x2048xf32, #tpu.memory_space<hbm>>)
    return
  }
}

</mosaic_0001>

<sc_bundles>
// kernel: kernel.3.cloned.1.call-start
scs
__scs_entry_jumppad:
0x0: {  	(pc) =	sbr.rel $0x88, $3  }
0x1: {  	(tag) =	ssettag $0x0;
	lr =	simm.s32 $0x1  }
0x2: {  	[smem:$0x3FA0] =	sst lr;
	_ =	strace $0xD0000000  }
0x3: {  	_ = 	snop  }
0x4: {  	_ = 	snop  }
0x5: {  	_ = 	snop  }
0x6: {  	_ = 	snop  }
0x7: {  	_ = 	snop  }
__scs_overlays_trampoline_lowered:
0x8: {  	[smem:$0x3FAF] =	sst s0  }
0x9: {  	[smem:$0x3FB0] =	sst s1  }
0xa: {  	[smem:$0x3FB1] =	sst s2  }
0xb: {  	[smem:$0x3FB2] =	sst s3  }
0xc: {  	[smem:$0x3FB3] =	sst s4  }
0xd: {  	[smem:$0x3FB4] =	sst s5  }
0xe: {  	[smem:$0x3FB5] =	sst s6  }
0xf: {  	[smem:$0x3FB6] =	sst s7  }
0x10: {  	[smem:$0x3FB7] =	sst s8  }
0x11: {  	[smem:$0x3FB8] =	sst s9;
	s0 =	simm.s32 @!p0 $0x0  }
0x12: {  	s1 =	sld [smem:$0x3F9E];
	s0 =	simm.s32 @p0 $0x1  }
0x13: {  	[smem:$0x3FB9] =	sst s0;
	s0 =	simm.s32 @!p1 $0x0  }
0x14: {  	s2 =	sld [smem:$0x3F9D];
	s0 =	simm.s32 @p1 $0x1  }
0x15: {  	[smem:$0x3FBA] =	sst s0;
	s0 =	simm.s32 @!p2 $0x0  }
0x16: {  	s3 =	sld [smem:$0x3FDB];
	s0 =	simm.s32 @p2 $0x1  }
0x17: {  	s4 =	simm.s32 $0x1BF5;
	[smem:$0x3FBC] =	sst s0  }
0x18: {  	s0 =	sld [smem:$0x3F9F];
	_ =	swait.ge [sflag:s4], $0x0  }
0x19: {  	s7 =	sld [smem:$0x3FA0]  }
0x1a: {  	s8 =	sadd.s32 $0xFFFFE003, lr  }
0x1b: {  	s9 =	sadd.s32 $0xFFFFFEF7, lr;
	s5 =	simm.s32 $0xFFFFFFFF;
	p2 =	slt.u32 s8, $0xFFFFF086  }
0x1c: {  	p1 =	slt.u32 s9, $0xF7A;
	s5 =	simm.s32 @!p2 $0x0  }
0x1d: {  	s5 =	simm.s32 @p1 $0x1;
	p0 =	seq.s32 s7, s2  }
0x1e: {  	s7 =	smul.u32 @!p0 $0xF7A, s2;
	p2 =	seq.s32 @!p0 s5, $0x0  }
0x1f: {  	s9 =	smul.u32 $0xF7A, s1;
	s8 =	simm.s32 @!p0 $0x1BF5;
	p2 =	por !p2, p0  }
0x20: {  	[sflag:s8] =	ssyncset.s32 @!p0 $0xFFFFF086;
	s6 =	sadd.s32 @!p0 s3, s7;
	s7 =	simm.s32 @!p0 $0x108  }
0x21: {  	s3 =	sadd.s32 s3, s9;
	s6 =	sadd.s32 @!p0 $0x88, s6;
	s7 =	simm.s32 @p2 $0x1082  }
0x22: {  	[simem:s7], [sflag:s8] =	dma.local @!p0 [hbm:s6], $0xF7A  }
0x23: {  	s9 =	sor.u32 $0xD0000000, s2;
	s6 =	simm.s32 $0x108;
	_ =	swait.ge @!p0 [sflag:s8], $0x0  }
0x24: {  	s3 =	sadd.s32 $0x88, s3;
	s6 =	simm.s32 @!p1 $0x1082;
	[sflag:s4] =	ssyncset.s32 $0xFFFFF086  }
0x25: {  	[simem:s6], [sflag:s4] =	dma.local [hbm:s3], $0xF7A  }
0x26: {  	[smem:$0x3FA0] =	sst s1;
	(tag) =	ssettag s2;
	_ =	strace s9  }
0x27: {  	s1 =	sld [smem:$0x3FB0]  }
0x28: {  	s2 =	sld [smem:$0x3FB1]  }
0x29: {  	s4 =	sld [smem:$0x3FB3]  }
0x2a: {  	p0 =	seq.s32 s5, $0x0;
	s5 =	sld [smem:$0x3FB4]  }
0x2b: {  	s6 =	sld [smem:$0x3FB5]  }
0x2c: {  	s7 =	sld [smem:$0x3FB6]  }
0x2d: {  	s3 =	simm.s32 $0x108;
	s8 =	sld [smem:$0x3FB7]  }
0x2e: {  	s3 =	simm.s32 @!p0 $0x1082;
	s9 =	sld [smem:$0x3FB8]  }
0x2f: {  	lr =	sadd.s32 s0, s3;
	s0 =	sld [smem:$0x3FAF]  }
0x30: {  	s3 =	sld [smem:$0x3FB2]  }
0x31: {  	[smem:$0x3FBB] =	sst s10  }
0x32: {  	s10 =	sld [smem:$0x3FB9];
	_ =	sdelay $0x3  }
0x33: {  	p0 =	seq.s32 s10, $0x1;
	s10 =	sld [smem:$0x3FBB];
	_ =	sdelay $0x3  }
0x34: {  	[smem:$0x3FBB] =	sst s10  }
0x35: {  	s10 =	sld [smem:$0x3FBA];
	_ =	sdelay $0x3  }
0x36: {  	p1 =	seq.s32 s10, $0x1;
	s10 =	sld [smem:$0x3FBB];
	_ =	sdelay $0x3  }
0x37: {  	[smem:$0x3FBB] =	sst s10  }
0x38: {  	s10 =	sld [smem:$0x3FBC]  }
0x39: {  	_ = 	snop;
	(pc) =	sbr.ind lr, $3  }
0x3a: {  	_ = 	snop  }
0x3b: {  	_ = 	snop  }
0x3c: {  	p2 =	seq.s32 s10, $0x1;
	s10 =	sld [smem:$0x3FBB]  }
0x3d: {  	_ =	shalt  }
0x3e: {  	_ =	shalt  }
0x3f: {  	_ =	shalt  }
0x40: {  	_ =	shalt  }
0x41: {  	_ =	shalt  }
0x42: {  	_ =	shalt  }
0x43: {  	_ =	shalt  }
0x44: {  	_ =	shalt  }
0x45: {  	_ =	shalt  }
0x46: {  	_ =	shalt  }
0x47: {  	_ =	shalt  }
0x48: {  	_ =	shalt  }
0x49: {  	_ =	shalt  }
0x4a: {  	_ =	shalt  }
0x4b: {  	_ =	shalt  }
0x4c: {  	_ =	shalt  }
0x4d: {  	_ =	shalt  }
0x4e: {  	_ =	shalt  }
0x4f: {  	_ =	shalt  }
0x50: {  	_ =	shalt  }
0x51: {  	_ =	shalt  }
0x52: {  	_ =	shalt  }
0x53: {  	_ =	shalt  }
0x54: {  	_ =	shalt  }
0x55: {  	_ =	shalt  }
0x56: {  	_ =	shalt  }
0x57: {  	_ =	shalt  }
0x58: {  	_ =	shalt  }
0x59: {  	_ =	shalt  }
0x5a: {  	_ =	shalt  }
0x5b: {  	_ =	shalt  }
0x5c: {  	_ =	shalt  }
0x5d: {  	_ =	shalt  }
0x5e: {  	_ =	shalt  }
0x5f: {  	_ =	shalt  }
0x60: {  	_ =	shalt  }
0x61: {  	_ =	shalt  }
0x62: {  	_ =	shalt  }
0x63: {  	_ =	shalt  }
0x64: {  	_ =	shalt  }
0x65: {  	_ =	shalt  }
0x66: {  	_ =	shalt  }
0x67: {  	_ =	shalt  }
0x68: {  	_ =	shalt  }
0x69: {  	_ =	shalt  }
0x6a: {  	_ =	shalt  }
0x6b: {  	_ =	shalt  }
0x6c: {  	_ =	shalt  }
0x6d: {  	_ =	shalt  }
0x6e: {  	_ =	shalt  }
0x6f: {  	_ =	shalt  }
0x70: {  	_ =	shalt  }
0x71: {  	_ =	shalt  }
0x72: {  	_ =	shalt  }
0x73: {  	_ =	shalt  }
0x74: {  	_ =	shalt  }
0x75: {  	_ =	shalt  }
0x76: {  	_ =	shalt  }
0x77: {  	_ =	shalt  }
0x78: {  	_ =	shalt  }
0x79: {  	_ =	shalt  }
0x7a: {  	_ =	shalt  }
0x7b: {  	_ =	shalt  }
0x7c: {  	_ =	shalt  }
0x7d: {  	_ =	shalt  }
0x7e: {  	_ =	shalt  }
0x7f: {  	_ =	shalt  }
0x80: {  	_ =	shalt  }
0x81: {  	_ =	shalt  }
0x82: {  	_ =	shalt  }
0x83: {  	_ =	shalt  }
0x84: {  	_ =	shalt  }
0x85: {  	_ =	shalt  }
0x86: {  	_ =	shalt  }
0x87: {  	_ =	shalt  }
.Lfunc_end0:
.L_simem_size_0:
called_computation_lowered:
.L_overlay_start_0:
0x88: {  	s2 =	sld [smem:$0x3FD9]  }
0x89: {  	s3 =	sld [smem:$0x3FFE];
	_ =	sdelay $0x1  }
0x8a: {  	s1 =	srdreg.scid  }
0x8b: {  	s0 =	sand.u32 $0x1, s1  }
0x8c: {  	s17 =	sshll.u32 s0, $0xA;
	s2 =	sadd.s32 s3, s2  }
0x8d: {  	s2 =	sadd.s32 s2, s17  }
0x8e: {  	[smem:$0x3FC7] =	sst s2  }
0x8f: {  	_ = 	snop  }
0x90: {  	s2 =	sld [smem:$0x3FC9]  }
0x91: {  	s18 =	sld [smem:$0x3FD0];
	(tm) =	ssettm $0x1  }
0x92: {  	s4 =	sld [smem:$0x3FFB];
	_ =	sdelay $0x3  }
0x93: {  	_ =	strace s4  }
0x94: {  	s4 =	sld [smem:$0x3FFC];
	_ =	sdelay $0x3  }
0x95: {  	_ =	strace s4  }
0x96: {  	s4 =	sld [smem:$0x3FFD];
	_ =	sdelay $0x3  }
0x97: {  	_ =	strace s4  }
0x98: {  	_ =	strace $0x8FFFFFFF  }
0x99: {  	s19 =	sld [smem:$0x3FDB];
	_ =	sdelay $0x1  }
0x9a: {  	s5 =	simm.s32 $_scs_section_size  }
0x9b: {  	s6 =	simm.s32 $_size__tile_overlayer_lowered;
	s7 =	simm.s32 $_tile_overlayer_lowered  }
0x9c: {  	s22 =	simm.s32 $0x1BFF;
	s21 =	sshll.u32 s7, $0x1;
	s4 =	sadd.s32 s5, s19  }
0x9d: {  	s8 =	simm.s32 $0x0;
	s20 =	sshll.u32 s6, $0x1;
	s6 =	sadd.s32 s21, s4  }
0x9e: {  	[timem:s8], [sflag:s22] =	dma.local [hbm:s6], s20  }
0x9f: {  	_ =	swait.ge [sflag:s22], s20  }
0xa0: {  	s5 =	ssub.s32 $0x0, s20;
	[sflag:s22] =	ssyncset.done $0x0  }
0xa1: {  	[sflag:s22] =	ssyncadd.s32 s5;
	_ =	sdelay $0x1  }
0xa2: {  	s23 =	simm.s32 $0x1B8B  }
0xa3: {  	_ =	swait.ge [sflag:s23], $0x1  }
0xa4: {  	[sflag:s23] =	ssyncset.done $0x0  }
0xa5: {  	s25 =	simm.s32 $0x1B8E;
	s24 =	sld [smem:$0x3FFE];
	[sflag:s23] =	ssyncadd.s32 $0xFFFFFFFF  }
0xa6: {  	s26 =	simm.s32 $execute0_lowered;
	[smem:$0x3FD2] =	sst s25  }
0xa7: {  	s6 =	sshll.u32 s26, $0x1;
	_ =	strace $0x80000046;
	[dreg:$0x1] =	wrdreg $0xFFFFFFFF  }
0xa8: {  	s28 =	simm.s32 $_size_execute0_lowered;
	s4 =	sadd.s32 s4, s6;
	[dreg:$0x0] =	wrdreg $0x0  }
0xa9: {  	s6 =	sshll.u32 s28, $0x1;
	[dreg:$0x2] =	wrdreg s4  }
0xaa: {  	[dreg:$0x3] =	wrdreg s6  }
0xab: {  	[dreg:$0x4] =	wrdreg $0xC0  }
0xac: {  	_ =	task [dreg:s8], $0x5FFFF  }
0xad: {  	[dreg:$0x1] =	wrdreg $0xFFFFFFFF  }
0xae: {  	[dreg:$0x0] =	wrdreg $0x60  }
0xaf: {  	[dreg:$0x2] =	wrdreg s2  }
0xb0: {  	[dreg:$0x3] =	wrdreg s24  }
0xb1: {  	[dreg:$0x4] =	wrdreg s18  }
0xb2: {  	[dreg:$0x5] =	wrdreg $0x9  }
0xb3: {  	_ =	task.clear_ibuf [dreg:s8], $0x6FFFF;
	_ =	strace $0x90000046  }
0xb4: {  	s29 =	simm.s32 $0x9;
	_ =	strace $0x80000048  }
0xb5: {  	_ =	swait.ge [sflag:s29], $0x1  }
0xb6: {  	[sflag:s29] =	ssyncadd.s32 $0xFFFFFFFF  }
0xb7: {  	_ =	strace $0x90000048  }
0xb8: {  	_ =	sfence  }
0xb9: {  	s30 =	sld [smem:$0x0];
	_ =	sdelay $0x2  }
0xba: {  	s31 =	sshll.u32 s1, $0xD;
	s1 =	sshrl.u32 s1, $0x2  }
0xbb: {  	s3 =	sand.u32 $0x4000, s31;
	s1 =	sadd.s32 s1, s30  }
0xbc: {  	s0 =	sor.u32 s3, s0;
	s1 =	sshll.u32 s1, $0x11  }
0xbd: {  	s0 =	sor.u32 s1, s0  }
0xbe: {  	s0 =	sadd.s32 $0x8F2B, s0  }
0xbf: {  	[sflag:s0] =	ssyncadd.remote.s32 $0x1  }
0xc0: {  	_ =	sfence.sel $0xFFFF  }
0xc1: {  	[dreg:$0x0] =	wrdreg $0xFFFFFFFF;
	(pc) =	sbr.abs _section_cstart, $3  }
0xc2: {  	[dreg:$0x1] =	wrdreg $0xFFFFFFFF  }
0xc3: {  	_ =	task.clear_ibuf [dreg:s8], $0x2FFFF;
	_ =	strace $0x9FFFFFFF  }
0xc4: {  	(tm) =	ssettm $0x7FFFFFFF  }
0xc5: {  	_ =	shalt  }
tec
execute0_lowered:
.L_overlay_start_1:
0x0: {  	(tag) =	ssettag $0x1  }
0x1: {  	s1 =	rddreg [dreg:$0x0]  }
0x2: {  	s0 =	srdreg.scid;
	s2 =	rddreg [dreg:$0x1]  }
0x3: {  	s14 =	stileid.u32;
	s4 =	rddreg [dreg:$0x2]  }
0x4: {  	s28 =	simm.s32 $0x2A00;
	s29 =	simm.s32 $0x4A00;
	s30 =	simm.s32 $0x5200  }
0x5: {  	s31 =	simm.s32 $0x5A00;
	s15 =	simm.s32 $0x4;
	s16 =	simm.s32 $0x6  }
0x6: {  	s17 =	simm.s32 $0x8;
	s0 =	sand.u32 $0x1, s0;
	s3 =	sshll.u32 s14, $0xA  }
0x7: {  	s7 =	sadd.s32 $0x300, s1;
	s8 =	sadd.s32 $0x400, s1;
	s9 =	sadd.s32 $0x500, s1  }
0x8: {  	s10 =	sadd.s32 $0x600, s1;
	s11 =	sadd.s32 $0x700, s1;
	s20 =	sshll.u32 s14, $0x12  }
0x9: {  	s14 =	simm.s32 $0x1A00;
	s5 =	sshll.u32 s0, $0x9;
	s6 =	ssub.s32 $0x2, s0  }
0xa: {  	s22 =	sadd.s32 s20, s4;
	s0 =	sshll.u32 s0, $0x11;
	s20 =	simm.s32 $0xA00  }
0xb: {  	s12 =	sor.u32 s5, s3;
	s3 =	simm.s32 $0x0;
	s18 =	sshrl.u32 s6, $0x1  }
0xc: {  	s0 =	sadd.s32 s0, s22;
	s22 =	simm.s32 $0x2;
	s5 =	sshrl.u32 s12, $0x3  }
0xd: {  	[smem:$0x7FF] =	sst s3;
	s13 =	ssub.s32 s6, s18;
	s6 =	sadd.s32 $0x200, s1  }
0xe: {  	s19 =	sshll.u32 s12, $0x8;
	s18 =	simm.s32 $0x3A00;
	s12 =	simm.s32 $0x7  }
0xf: {  	_ =	strace $0x80000047;
	s21 =	sadd.s32 s4, s19;
	[dreg:$0x4] =	wrdreg s0  }
0x10: {  	s2 =	sadd.s32 s5, s2;
	s26 =	smax.u32 s13, $0x1;
	[dreg:$0x6] =	wrdreg s21  }
0x11: {  	s5 =	sadd.s32 $0x100, s1;
	s19 =	simm.s32 $0x0;
	[dreg:$0xa] =	wrdreg s26  }
0x12: {  	s13 =	simm.s32 $0x1;
	s2 =	sadd.s32 $0x800, s2;
	[dreg:$0xb] =	wrdreg s19  }
0x13: {  	s0 =	simm.s32 $0x3;
	s23 =	sadd.s32 $0x800, s21;
	[dreg:$0x5] =	wrdreg s2  }
0x14: {  	s4 =	simm.s32 $0x5;
	s24 =	sadd.s32 $0x1F000, s21;
	[dreg:$0x7] =	wrdreg s23  }
0x15: {  	v0 =	vlaneseq.u32;
	s25 =	sadd.s32 $0x1F800, s21;
	s26 =	simm.s32 $0x200;
	[dreg:$0x8] =	wrdreg s24  }
0x16: {  	v1 =	vshrl.u32 v0, $0x3;
	s21 =	simm.s32 $0x1200;
	[dreg:$0x9] =	wrdreg s25;
	s25 =	simm.s32 $0x2200  }
0x17: {  	vm0 =	vmmov $0xffff;
	v0 =	vand.u32 $0x7, v0;
	v1 =	vmul.u32 $0x8, v1;
	s2 =	simm.s32 $0x3200;
	s24 =	simm.s32 $0x8200;
	s23 =	simm.s32 $0xC200  }
.LBB2_1:
0x18: {  	s19 =	rddreg [dreg:$0x5]  }
0x19: {  	[tilespmem:s3], [sflag:$0x9] =	stream.linear.gather [hbm4b:s19+s3], $0x200, $0x38;
	[tilespmem:$0x10200] =	vst v63  }
0x1a: {  	s19 =	simm.s32 $0x9  }
0x1b: {  	_ =	swait.ge [sflag:s19], $0x200  }
0x1c: {  	[sflag:s19] =	ssyncset.done $0x0  }
0x1d: {  	[sflag:s19] =	ssyncadd.s32 $0xFFFFFE00  }
0x1e: {  	v2 =	vld.msk [tilespmem:$0x0], $0xff;
	_ =	sdelay $0x4  }
0x1f: {  	v3 =	vshll.u32 v2, $0x4  }
0x20: {  	v2 =	vand.u32 $0x7, v2;
	v3 =	vand.u32 $0xFFFFFF80, v3  }
0x21: {  	v2 =	vor.u32 v2, v3  }
0x22: {  	v2 =	vperm.xlane v2, v0;
	_ =	sdelay $0x1  }
0x23: {  	v2 =	vadd.s32 v1, v2;
	_ =	sdelay $0x4  }
0x24: {  	[tilespmem:s26], [sflag:$0x1] =	stream.indirect_vreg.gather [hbm4b:s1+s3], $0x80, v2, vm0, $0xb8;
	[tilespmem:$0x10200] =	vst v63  }
0x25: {  	_ = 	snop  }
0x26: {  	[tilespmem:s20], [sflag:$0x1] =	stream.indirect_vreg.gather [hbm4b:s5+s3], $0x80, v2, vm0, $0xb8;
	[tilespmem:$0x10200] =	vst v63  }
0x27: {  	_ = 	snop  }
0x28: {  	[tilespmem:s21], [sflag:$0x1] =	stream.indirect_vreg.gather [hbm4b:s6+s3], $0x80, v2, vm0, $0xb8;
	[tilespmem:$0x10200] =	vst v63  }
0x29: {  	_ = 	snop  }
0x2a: {  	[tilespmem:s14], [sflag:$0x1] =	stream.indirect_vreg.gather [hbm4b:s7+s3], $0x80, v2, vm0, $0xb8;
	[tilespmem:$0x10200] =	vst v63  }
0x2b: {  	_ = 	snop  }
0x2c: {  	[tilespmem:s25], [sflag:$0x1] =	stream.indirect_vreg.gather [hbm4b:s8+s3], $0x80, v2, vm0, $0xb8;
	[tilespmem:$0x10200] =	vst v63  }
0x2d: {  	_ = 	snop  }
0x2e: {  	[tilespmem:s28], [sflag:$0x1] =	stream.indirect_vreg.gather [hbm4b:s9+s3], $0x80, v2, vm0, $0xb8;
	[tilespmem:$0x10200] =	vst v63  }
0x2f: {  	_ = 	snop  }
0x30: {  	[tilespmem:s2], [sflag:$0x1] =	stream.indirect_vreg.gather [hbm4b:s10+s3], $0x80, v2, vm0, $0xb8;
	[tilespmem:$0x10200] =	vst v63  }
0x31: {  	_ = 	snop  }
0x32: {  	[tilespmem:s18], [sflag:$0x1] =	stream.indirect_vreg.gather [hbm4b:s11+s3], $0x80, v2, vm0, $0xb8;
	[tilespmem:$0x10200] =	vst v63  }
0x33: {  	v2 =	vld.msk [tilespmem:$0x8], $0xff;
	_ =	sdelay $0x4  }
0x34: {  	v3 =	vshll.u32 v2, $0x4  }
0x35: {  	v2 =	vand.u32 $0x7, v2;
	v3 =	vand.u32 $0xFFFFFF80, v3  }
0x36: {  	v2 =	vor.u32 v2, v3  }
0x37: {  	v2 =	vperm.xlane v2, v0;
	_ =	sdelay $0x1  }
0x38: {  	v2 =	vadd.s32 v1, v2;
	_ =	sdelay $0x3  }
0x39: {  	s14 =	simm.s32 $0x4200  }
0x3a: {  	[tilespmem:s14], [sflag:$0x2] =	stream.indirect_vreg.gather [hbm4b:s1+s3], $0x80, v2, vm0, $0xb8;
	[tilespmem:$0x10200] =	vst v63  }
0x3b: {  	_ = 	snop  }
0x3c: {  	[tilespmem:s29], [sflag:$0x2] =	stream.indirect_vreg.gather [hbm4b:s5+s3], $0x80, v2, vm0, $0xb8;
	[tilespmem:$0x10200] =	vst v63  }
0x3d: {  	_ = 	snop  }
0x3e: {  	[tilespmem:s30], [sflag:$0x2] =	stream.indirect_vreg.gather [hbm4b:s6+s3], $0x80, v2, vm0, $0xb8;
	[tilespmem:$0x10200] =	vst v63  }
0x3f: {  	_ = 	snop  }
0x40: {  	[tilespmem:s31], [sflag:$0x2] =	stream.indirect_vreg.gather [hbm4b:s7+s3], $0x80, v2, vm0, $0xb8;
	[tilespmem:$0x10200] =	vst v63  }
0x41: {  	s20 =	simm.s32 $0x6200  }
0x42: {  	[tilespmem:s20], [sflag:$0x2] =	stream.indirect_vreg.gather [hbm4b:s8+s3], $0x80, v2, vm0, $0xb8;
	[tilespmem:$0x10200] =	vst v63  }
0x43: {  	s21 =	simm.s32 $0x6A00  }
0x44: {  	[tilespmem:s21], [sflag:$0x2] =	stream.indirect_vreg.gather [hbm4b:s9+s3], $0x80, v2, vm0, $0xb8;
	[tilespmem:$0x10200] =	vst v63  }
0x45: {  	s25 =	simm.s32 $0x7200  }
0x46: {  	[tilespmem:s25], [sflag:$0x2] =	stream.indirect_vreg.gather [hbm4b:s10+s3], $0x80, v2, vm0, $0xb8;
	[tilespmem:$0x10200] =	vst v63  }
0x47: {  	s28 =	simm.s32 $0x7A00  }
0x48: {  	[tilespmem:s28], [sflag:$0x2] =	stream.indirect_vreg.gather [hbm4b:s11+s3], $0x80, v2, vm0, $0xb8;
	[tilespmem:$0x10200] =	vst v63  }
0x49: {  	_ =	swait.ge [sflag:s13], $0x4000  }
0x4a: {  	[sflag:s13] =	ssyncset.done $0x0  }
0x4b: {  	s18 =	rddreg [dreg:$0x6];
	[sflag:s13] =	ssyncadd.s32 $0xFFFFC000  }
0x4c: {  	[hbm4b:s18+s3] =	stream.linear.scatter [tilespmem:s26], [sflag:$0x5], $0x4000, $0x38;
	[tilespmem:$0x10200] =	vst v63  }
0x4d: {  	v2 =	vld.msk [tilespmem:$0x10], $0xff;
	_ =	sdelay $0x4  }
0x4e: {  	v3 =	vshll.u32 v2, $0x4  }
0x4f: {  	v2 =	vand.u32 $0x7, v2;
	v3 =	vand.u32 $0xFFFFFF80, v3  }
0x50: {  	v2 =	vor.u32 v2, v3  }
0x51: {  	v2 =	vperm.xlane v2, v0;
	_ =	sdelay $0x1  }
0x52: {  	v2 =	vadd.s32 v1, v2;
	_ =	sdelay $0x4  }
0x53: {  	[tilespmem:s24], [sflag:$0x3] =	stream.indirect_vreg.gather [hbm4b:s1+s3], $0x80, v2, vm0, $0xb8;
	[tilespmem:$0x10200] =	vst v63  }
0x54: {  	s19 =	simm.s32 $0x8A00  }
0x55: {  	[tilespmem:s19], [sflag:$0x3] =	stream.indirect_vreg.gather [hbm4b:s5+s3], $0x80, v2, vm0, $0xb8;
	[tilespmem:$0x10200] =	vst v63  }
0x56: {  	s20 =	simm.s32 $0x9200  }
0x57: {  	[tilespmem:s20], [sflag:$0x3] =	stream.indirect_vreg.gather [hbm4b:s6+s3], $0x80, v2, vm0, $0xb8;
	[tilespmem:$0x10200] =	vst v63  }
0x58: {  	s21 =	simm.s32 $0x9A00  }
0x59: {  	[tilespmem:s21], [sflag:$0x3] =	stream.indirect_vreg.gather [hbm4b:s7+s3], $0x80, v2, vm0, $0xb8;
	[tilespmem:$0x10200] =	vst v63  }
0x5a: {  	s24 =	simm.s32 $0xA200  }
0x5b: {  	[tilespmem:s24], [sflag:$0x3] =	stream.indirect_vreg.gather [hbm4b:s8+s3], $0x80, v2, vm0, $0xb8;
	[tilespmem:$0x10200] =	vst v63  }
0x5c: {  	s25 =	simm.s32 $0xAA00  }
0x5d: {  	[tilespmem:s25], [sflag:$0x3] =	stream.indirect_vreg.gather [hbm4b:s9+s3], $0x80, v2, vm0, $0xb8;
	[tilespmem:$0x10200] =	vst v63  }
0x5e: {  	s26 =	simm.s32 $0xB200  }
0x5f: {  	[tilespmem:s26], [sflag:$0x3] =	stream.indirect_vreg.gather [hbm4b:s10+s3], $0x80, v2, vm0, $0xb8;
	[tilespmem:$0x10200] =	vst v63  }
0x60: {  	s28 =	simm.s32 $0xBA00  }
0x61: {  	[tilespmem:s28], [sflag:$0x3] =	stream.indirect_vreg.gather [hbm4b:s11+s3], $0x80, v2, vm0, $0xb8;
	[tilespmem:$0x10200] =	vst v63  }
0x62: {  	_ =	swait.ge [sflag:s22], $0x4000  }
0x63: {  	[sflag:s22] =	ssyncset.done $0x0  }
0x64: {  	s18 =	rddreg [dreg:$0x7];
	[sflag:s22] =	ssyncadd.s32 $0xFFFFC000  }
0x65: {  	[hbm4b:s18+s3] =	stream.linear.scatter [tilespmem:s14], [sflag:$0x6], $0x4000, $0x38;
	[tilespmem:$0x10200] =	vst v63  }
0x66: {  	v2 =	vld.msk [tilespmem:$0x18], $0xff;
	_ =	sdelay $0x4  }
0x67: {  	v3 =	vshll.u32 v2, $0x4  }
0x68: {  	v2 =	vand.u32 $0x7, v2;
	v3 =	vand.u32 $0xFFFFFF80, v3  }
0x69: {  	v2 =	vor.u32 v2, v3  }
0x6a: {  	v2 =	vperm.xlane v2, v0;
	_ =	sdelay $0x1  }
0x6b: {  	v2 =	vadd.s32 v1, v2;
	_ =	sdelay $0x4  }
0x6c: {  	[tilespmem:s23], [sflag:$0x4] =	stream.indirect_vreg.gather [hbm4b:s1+s3], $0x80, v2, vm0, $0xb8;
	[tilespmem:$0x10200] =	vst v63  }
0x6d: {  	s20 =	simm.s32 $0xCA00  }
0x6e: {  	[tilespmem:s20], [sflag:$0x4] =	stream.indirect_vreg.gather [hbm4b:s5+s3], $0x80, v2, vm0, $0xb8;
	[tilespmem:$0x10200] =	vst v63  }
0x6f: {  	s21 =	simm.s32 $0xD200  }
0x70: {  	[tilespmem:s21], [sflag:$0x4] =	stream.indirect_vreg.gather [hbm4b:s6+s3], $0x80, v2, vm0, $0xb8;
	[tilespmem:$0x10200] =	vst v63  }
0x71: {  	s2 =	simm.s32 $0x3200;
	s24 =	simm.s32 $0xDA00  }
0x72: {  	[tilespmem:s24], [sflag:$0x4] =	stream.indirect_vreg.gather [hbm4b:s7+s3], $0x80, v2, vm0, $0xb8;
	[tilespmem:$0x10200] =	vst v63  }
0x73: {  	s29 =	simm.s32 $0x1A00;
	s30 =	simm.s32 $0x4A00;
	s25 =	simm.s32 $0xE200  }
0x74: {  	[tilespmem:s25], [sflag:$0x4] =	stream.indirect_vreg.gather [hbm4b:s8+s3], $0x80, v2, vm0, $0xb8;
	[tilespmem:$0x10200] =	vst v63  }
0x75: {  	s31 =	simm.s32 $0xFA00;
	s19 =	simm.s32 $0x38;
	s26 =	simm.s32 $0xEA00  }
0x76: {  	[tilespmem:s26], [sflag:$0x4] =	stream.indirect_vreg.gather [hbm4b:s9+s3], $0x80, v2, vm0, $0xb8;
	[tilespmem:$0x10200] =	vst v63  }
0x77: {  	s28 =	simm.s32 $0xF200;
	s18 =	simm.s32 $0x3A00;
	s14 =	simm.s32 $0x4200  }
0x78: {  	[tilespmem:s28], [sflag:$0x4] =	stream.indirect_vreg.gather [hbm4b:s10+s3], $0x80, v2, vm0, $0xb8;
	[tilespmem:$0x10200] =	vst v63  }
0x79: {  	s20 =	simm.s32 $0x0;
	s25 =	simm.s32 $0x5200;
	s26 =	simm.s32 $0x200  }
0x7a: {  	[tilespmem:s31], [sflag:$0x4] =	stream.indirect_vreg.gather [hbm4b:s11+s3], $0x80, v2, vm0, $0xb8;
	[tilespmem:$0x10200] =	vst v63  }
.LBB2_2:
0x7b: {  	_ =	swait.ge [sflag:s0], $0x4000  }
0x7c: {  	s21 =	rddreg [dreg:$0x4]  }
0x7d: {  	[sflag:s0] =	ssyncset.done $0x0;
	s21 =	sadd.s32 s20, s21  }
0x7e: {  	s28 =	simm.s32 $0x8200;
	[sflag:s0] =	ssyncadd.s32 $0xFFFFC000;
	s24 =	sadd.s32 $0x1000, s21  }
0x7f: {  	[hbm4b:s24+s3] =	stream.linear.scatter [tilespmem:s28], [sflag:$0x7], $0x4000, $0x38;
	[tilespmem:$0x10200] =	vst v63  }
0x80: {  	_ =	swait.ge [sflag:s4], $0x4000  }
0x81: {  	[sflag:s4] =	ssyncset.done $0x0  }
0x82: {  	[sflag:s4] =	ssyncadd.s32 $0xFFFFC000  }
0x83: {  	v2 =	vld.msk [tilespmem:s19+$0xFFFFFFE8], $0xff;
	_ =	sdelay $0x4  }
0x84: {  	v3 =	vshll.u32 v2, $0x4  }
0x85: {  	v2 =	vand.u32 $0x7, v2;
	v3 =	vand.u32 $0xFFFFFF80, v3  }
0x86: {  	v2 =	vor.u32 v2, v3  }
0x87: {  	v2 =	vperm.xlane v2, v0;
	_ =	sdelay $0x1  }
0x88: {  	v2 =	vadd.s32 v1, v2;
	_ =	sdelay $0x4  }
0x89: {  	[tilespmem:s26], [sflag:$0x1] =	stream.indirect_vreg.gather [hbm4b:s1+s3], $0x80, v2, vm0, $0xb8;
	[tilespmem:$0x10200] =	vst v63  }
0x8a: {  	s24 =	simm.s32 $0xA00  }
0x8b: {  	[tilespmem:s24], [sflag:$0x1] =	stream.indirect_vreg.gather [hbm4b:s5+s3], $0x80, v2, vm0, $0xb8;
	[tilespmem:$0x10200] =	vst v63  }
0x8c: {  	s24 =	simm.s32 $0x1200  }
0x8d: {  	[tilespmem:s24], [sflag:$0x1] =	stream.indirect_vreg.gather [hbm4b:s6+s3], $0x80, v2, vm0, $0xb8;
	[tilespmem:$0x10200] =	vst v63  }
0x8e: {  	_ = 	snop  }
0x8f: {  	[tilespmem:s29], [sflag:$0x1] =	stream.indirect_vreg.gather [hbm4b:s7+s3], $0x80, v2, vm0, $0xb8;
	[tilespmem:$0x10200] =	vst v63  }
0x90: {  	s24 =	simm.s32 $0x2200  }
0x91: {  	[tilespmem:s24], [sflag:$0x1] =	stream.indirect_vreg.gather [hbm4b:s8+s3], $0x80, v2, vm0, $0xb8;
	[tilespmem:$0x10200] =	vst v63  }
0x92: {  	s24 =	simm.s32 $0x2A00  }
0x93: {  	[tilespmem:s24], [sflag:$0x1] =	stream.indirect_vreg.gather [hbm4b:s9+s3], $0x80, v2, vm0, $0xb8;
	[tilespmem:$0x10200] =	vst v63  }
0x94: {  	_ = 	snop  }
0x95: {  	[tilespmem:s2], [sflag:$0x1] =	stream.indirect_vreg.gather [hbm4b:s10+s3], $0x80, v2, vm0, $0xb8;
	[tilespmem:$0x10200] =	vst v63  }
0x96: {  	_ = 	snop  }
0x97: {  	[tilespmem:s18], [sflag:$0x1] =	stream.indirect_vreg.gather [hbm4b:s11+s3], $0x80, v2, vm0, $0xb8;
	[tilespmem:$0x10200] =	vst v63  }
0x98: {  	_ =	swait.ge [sflag:s15], $0x4000  }
0x99: {  	[sflag:s15] =	ssyncset.done $0x0  }
0x9a: {  	s24 =	sadd.s32 $0x1800, s21;
	[sflag:s15] =	ssyncadd.s32 $0xFFFFC000  }
0x9b: {  	[hbm4b:s24+s3] =	stream.linear.scatter [tilespmem:s23], [sflag:$0x8], $0x4000, $0x38;
	[tilespmem:$0x10200] =	vst v63  }
0x9c: {  	_ =	swait.ge [sflag:s16], $0x4000  }
0x9d: {  	[sflag:s16] =	ssyncset.done $0x0  }
0x9e: {  	[sflag:s16] =	ssyncadd.s32 $0xFFFFC000  }
0x9f: {  	v2 =	vld.msk [tilespmem:s19+$0xFFFFFFF0], $0xff;
	_ =	sdelay $0x4  }
0xa0: {  	v3 =	vshll.u32 v2, $0x4  }
0xa1: {  	v2 =	vand.u32 $0x7, v2;
	v3 =	vand.u32 $0xFFFFFF80, v3  }
0xa2: {  	v2 =	vor.u32 v2, v3  }
0xa3: {  	v2 =	vperm.xlane v2, v0;
	_ =	sdelay $0x1  }
0xa4: {  	v2 =	vadd.s32 v1, v2;
	_ =	sdelay $0x4  }
0xa5: {  	[tilespmem:s14], [sflag:$0x2] =	stream.indirect_vreg.gather [hbm4b:s1+s3], $0x80, v2, vm0, $0xb8;
	[tilespmem:$0x10200] =	vst v63  }
0xa6: {  	_ = 	snop  }
0xa7: {  	[tilespmem:s30], [sflag:$0x2] =	stream.indirect_vreg.gather [hbm4b:s5+s3], $0x80, v2, vm0, $0xb8;
	[tilespmem:$0x10200] =	vst v63  }
0xa8: {  	_ = 	snop  }
0xa9: {  	[tilespmem:s25], [sflag:$0x2] =	stream.indirect_vreg.gather [hbm4b:s6+s3], $0x80, v2, vm0, $0xb8;
	[tilespmem:$0x10200] =	vst v63  }
0xaa: {  	s24 =	simm.s32 $0x5A00  }
0xab: {  	[tilespmem:s24], [sflag:$0x2] =	stream.indirect_vreg.gather [hbm4b:s7+s3], $0x80, v2, vm0, $0xb8;
	[tilespmem:$0x10200] =	vst v63  }
0xac: {  	s24 =	simm.s32 $0x6200  }
0xad: {  	[tilespmem:s24], [sflag:$0x2] =	stream.indirect_vreg.gather [hbm4b:s8+s3], $0x80, v2, vm0, $0xb8;
	[tilespmem:$0x10200] =	vst v63  }
0xae: {  	s24 =	simm.s32 $0x6A00  }
0xaf: {  	[tilespmem:s24], [sflag:$0x2] =	stream.indirect_vreg.gather [hbm4b:s9+s3], $0x80, v2, vm0, $0xb8;
	[tilespmem:$0x10200] =	vst v63  }
0xb0: {  	s24 =	simm.s32 $0x7200  }
0xb1: {  	[tilespmem:s24], [sflag:$0x2] =	stream.indirect_vreg.gather [hbm4b:s10+s3], $0x80, v2, vm0, $0xb8;
	[tilespmem:$0x10200] =	vst v63  }
0xb2: {  	s24 =	simm.s32 $0x7A00  }
0xb3: {  	[tilespmem:s24], [sflag:$0x2] =	stream.indirect_vreg.gather [hbm4b:s11+s3], $0x80, v2, vm0, $0xb8;
	[tilespmem:$0x10200] =	vst v63  }
0xb4: {  	_ =	swait.ge [sflag:s13], $0x4000  }
0xb5: {  	[sflag:s13] =	ssyncset.done $0x0  }
0xb6: {  	s24 =	sadd.s32 $0x2000, s21;
	[sflag:s13] =	ssyncadd.s32 $0xFFFFC000  }
0xb7: {  	[hbm4b:s24+s3] =	stream.linear.scatter [tilespmem:s26], [sflag:$0x5], $0x4000, $0x38;
	[tilespmem:$0x10200] =	vst v63  }
0xb8: {  	_ =	swait.ge [sflag:s12], $0x4000  }
0xb9: {  	[sflag:s12] =	ssyncset.done $0x0  }
0xba: {  	[sflag:s12] =	ssyncadd.s32 $0xFFFFC000  }
0xbb: {  	v2 =	vld.msk [tilespmem:s19+$0xFFFFFFF8], $0xff;
	_ =	sdelay $0x4  }
0xbc: {  	v3 =	vshll.u32 v2, $0x4  }
0xbd: {  	v2 =	vand.u32 $0x7, v2;
	v3 =	vand.u32 $0xFFFFFF80, v3  }
0xbe: {  	v2 =	vor.u32 v2, v3  }
0xbf: {  	v2 =	vperm.xlane v2, v0;
	_ =	sdelay $0x1  }
0xc0: {  	v2 =	vadd.s32 v1, v2;
	_ =	sdelay $0x4  }
0xc1: {  	[tilespmem:s28], [sflag:$0x3] =	stream.indirect_vreg.gather [hbm4b:s1+s3], $0x80, v2, vm0, $0xb8;
	[tilespmem:$0x10200] =	vst v63  }
0xc2: {  	s28 =	simm.s32 $0x8A00  }
0xc3: {  	[tilespmem:s28], [sflag:$0x3] =	stream.indirect_vreg.gather [hbm4b:s5+s3], $0x80, v2, vm0, $0xb8;
	[tilespmem:$0x10200] =	vst v63  }
0xc4: {  	s28 =	simm.s32 $0x9200  }
0xc5: {  	[tilespmem:s28], [sflag:$0x3] =	stream.indirect_vreg.gather [hbm4b:s6+s3], $0x80, v2, vm0, $0xb8;
	[tilespmem:$0x10200] =	vst v63  }
0xc6: {  	s28 =	simm.s32 $0x9A00  }
0xc7: {  	[tilespmem:s28], [sflag:$0x3] =	stream.indirect_vreg.gather [hbm4b:s7+s3], $0x80, v2, vm0, $0xb8;
	[tilespmem:$0x10200] =	vst v63  }
0xc8: {  	s28 =	simm.s32 $0xA200  }
0xc9: {  	[tilespmem:s28], [sflag:$0x3] =	stream.indirect_vreg.gather [hbm4b:s8+s3], $0x80, v2, vm0, $0xb8;
	[tilespmem:$0x10200] =	vst v63  }
0xca: {  	s28 =	simm.s32 $0xAA00  }
0xcb: {  	[tilespmem:s28], [sflag:$0x3] =	stream.indirect_vreg.gather [hbm4b:s9+s3], $0x80, v2, vm0, $0xb8;
	[tilespmem:$0x10200] =	vst v63  }
0xcc: {  	s28 =	simm.s32 $0xB200  }
0xcd: {  	[tilespmem:s28], [sflag:$0x3] =	stream.indirect_vreg.gather [hbm4b:s10+s3], $0x80, v2, vm0, $0xb8;
	[tilespmem:$0x10200] =	vst v63  }
0xce: {  	s28 =	simm.s32 $0xBA00  }
0xcf: {  	[tilespmem:s28], [sflag:$0x3] =	stream.indirect_vreg.gather [hbm4b:s11+s3], $0x80, v2, vm0, $0xb8;
	[tilespmem:$0x10200] =	vst v63  }
0xd0: {  	_ =	swait.ge [sflag:s22], $0x4000  }
0xd1: {  	[sflag:s22] =	ssyncset.done $0x0  }
0xd2: {  	s21 =	sadd.s32 $0x2800, s21;
	[sflag:s22] =	ssyncadd.s32 $0xFFFFC000  }
0xd3: {  	[hbm4b:s21+s3] =	stream.linear.scatter [tilespmem:s14], [sflag:$0x6], $0x4000, $0x38;
	[tilespmem:$0x10200] =	vst v63  }
0xd4: {  	_ =	swait.ge [sflag:s17], $0x4000  }
0xd5: {  	[sflag:s17] =	ssyncset.done $0x0  }
0xd6: {  	[sflag:s17] =	ssyncadd.s32 $0xFFFFC000  }
0xd7: {  	v2 =	vld.msk [tilespmem:s19+$0x0], $0xff;
	_ =	sdelay $0x4  }
0xd8: {  	v3 =	vshll.u32 v2, $0x4  }
0xd9: {  	v2 =	vand.u32 $0x7, v2;
	v3 =	vand.u32 $0xFFFFFF80, v3  }
0xda: {  	v2 =	vor.u32 v2, v3  }
0xdb: {  	v2 =	vperm.xlane v2, v0;
	_ =	sdelay $0x1  }
0xdc: {  	v2 =	vadd.s32 v1, v2;
	_ =	sdelay $0x4  }
0xdd: {  	[tilespmem:s23], [sflag:$0x4] =	stream.indirect_vreg.gather [hbm4b:s1+s3], $0x80, v2, vm0, $0xb8;
	[tilespmem:$0x10200] =	vst v63  }
0xde: {  	s28 =	simm.s32 $0xCA00  }
0xdf: {  	[tilespmem:s28], [sflag:$0x4] =	stream.indirect_vreg.gather [hbm4b:s5+s3], $0x80, v2, vm0, $0xb8;
	[tilespmem:$0x10200] =	vst v63  }
0xe0: {  	s28 =	simm.s32 $0xD200  }
0xe1: {  	[tilespmem:s28], [sflag:$0x4] =	stream.indirect_vreg.gather [hbm4b:s6+s3], $0x80, v2, vm0, $0xb8;
	[tilespmem:$0x10200] =	vst v63  }
0xe2: {  	s28 =	simm.s32 $0xDA00  }
0xe3: {  	[tilespmem:s28], [sflag:$0x4] =	stream.indirect_vreg.gather [hbm4b:s7+s3], $0x80, v2, vm0, $0xb8;
	[tilespmem:$0x10200] =	vst v63  }
0xe4: {  	s28 =	simm.s32 $0xE200  }
0xe5: {  	[tilespmem:s28], [sflag:$0x4] =	stream.indirect_vreg.gather [hbm4b:s8+s3], $0x80, v2, vm0, $0xb8;
	[tilespmem:$0x10200] =	vst v63  }
0xe6: {  	p0 =	sne.s32 s20, $0x1C000;
	s28 =	simm.s32 $0xEA00  }
0xe7: {  	[tilespmem:s28], [sflag:$0x4] =	stream.indirect_vreg.gather [hbm4b:s9+s3], $0x80, v2, vm0, $0xb8;
	[tilespmem:$0x10200] =	vst v63  }
.Ltmp0:
0xe8: {  	_ = 	snop;
	(pc) =	sbr.rel @p0 .LBB2_2-.Ltmp0, $4  }
0xe9: {  	s28 =	simm.s32 $0xF200  }
0xea: {  	[tilespmem:s28], [sflag:$0x4] =	stream.indirect_vreg.gather [hbm4b:s10+s3], $0x80, v2, vm0, $0xb8;
	[tilespmem:$0x10200] =	vst v63  }
0xeb: {  	s20 =	sadd.s32 $0x2000, s20;
	s24 =	simm.s32 $0x8200;
	s19 =	sadd.s32 $0x20, s19  }
0xec: {  	[tilespmem:s31], [sflag:$0x4] =	stream.indirect_vreg.gather [hbm4b:s11+s3], $0x80, v2, vm0, $0xb8;
	[tilespmem:$0x10200] =	vst v63  }
0xed: {  	_ =	swait.ge [sflag:s0], $0x4000  }
0xee: {  	[sflag:s0] =	ssyncset.done $0x0  }
0xef: {  	s19 =	rddreg [dreg:$0x8];
	[sflag:s0] =	ssyncadd.s32 $0xFFFFC000  }
0xf0: {  	[hbm4b:s19+s3] =	stream.linear.scatter [tilespmem:s24], [sflag:$0x7], $0x4000, $0x38;
	[tilespmem:$0x10200] =	vst v63  }
0xf1: {  	_ =	swait.ge [sflag:s4], $0x4000  }
0xf2: {  	[sflag:s4] =	ssyncset.done $0x0  }
0xf3: {  	[sflag:s4] =	ssyncadd.s32 $0xFFFFC000  }
0xf4: {  	_ =	swait.ge [sflag:s15], $0x4000  }
0xf5: {  	[sflag:s15] =	ssyncset.done $0x0  }
0xf6: {  	s25 =	rddreg [dreg:$0x9];
	[sflag:s15] =	ssyncadd.s32 $0xFFFFC000  }
0xf7: {  	[hbm4b:s25+s3] =	stream.linear.scatter [tilespmem:s23], [sflag:$0x8], $0x4000, $0x38;
	[tilespmem:$0x10200] =	vst v63  }
0xf8: {  	_ =	swait.ge [sflag:s16], $0x4000  }
0xf9: {  	[sflag:s16] =	ssyncset.done $0x0  }
0xfa: {  	[sflag:s16] =	ssyncadd.s32 $0xFFFFC000  }
0xfb: {  	_ =	swait.ge [sflag:s12], $0x4000  }
0xfc: {  	[sflag:s12] =	ssyncset.done $0x0  }
0xfd: {  	[sflag:s12] =	ssyncadd.s32 $0xFFFFC000  }
0xfe: {  	_ =	swait.ge [sflag:s17], $0x4000  }
0xff: {  	s2 =	rddreg [dreg:$0xb]  }
0x100: {  	s26 =	rddreg [dreg:$0xa];
	s2 =	sadd.s32 $0x1, s2  }
0x101: {  	p0 =	sne.s32 s2, s26  }
.Ltmp1:
0x102: {  	s20 =	simm.s32 $0xA00;
	s21 =	simm.s32 $0x1200;
	(pc) =	sbr.rel @p0 .LBB2_1-.Ltmp1, $4  }
0x103: {  	s14 =	simm.s32 $0x1A00;
	s28 =	simm.s32 $0x2A00;
	s18 =	simm.s32 $0x3A00  }
0x104: {  	s29 =	simm.s32 $0x4A00;
	s30 =	simm.s32 $0x5200;
	[sflag:s17] =	ssyncset.done $0x0  }
0x105: {  	s31 =	simm.s32 $0x5A00;
	s25 =	simm.s32 $0x2200;
	[sflag:s17] =	ssyncadd.s32 $0xFFFFC000  }
0x106: {  	[dreg:$0xb] =	wrdreg s2;
	s2 =	simm.s32 $0x3200;
	s26 =	simm.s32 $0x200  }
0x107: {  	_ =	sfence.sel $0x180000  }
0x108: {  	[bflag:$0x0] =	sbarrier.arrive $0xFFFF  }
0x109: {  	_ =	strace $0x90000047  }
0x10a: {  	s0 =	stileid.u32;
	[bflag:$0x2] =	sbarrier.arrive $0xFFFF  }
0x10b: {  	p0 =	sne.s32 s0, $0x0;
	s0 =	rddreg [dreg:$0x3]  }
0x10c: {  	s0 =	sadd.s32 @!p0 $0x100000, s0  }
0x10d: {  	[sflag:s0] =	ssyncadd.tile.s32 @!p0 $0x1;
	_ =	shalt  }
.Lfunc_end2:
_tile_overlayer_lowered:
.L_overlay_start_2:
0x10e: {  	(tag) =	ssettag $0x2  }
0x10f: {  	s0 =	rddreg [dreg:$0x0];
	s2 =	stileid.u32  }
0x110: {  	s1 =	rddreg [dreg:$0x1];
	p0 =	sne.s32 s2, $0x0  }
0x111: {  	s3 =	rddreg [dreg:$0x2];
	[bflag:$0x3] =	sbarrier.arrive $0xFFFF;
	s2 =	simm.s32 @!p0 $0x1C09  }
0x112: {  	[timem:s3], [sflag:s2] =	dma.local @!p0 [hbm:s0], s1  }
0x113: {  	s0 =	simm.s32 @!p0 $0x9  }
0x114: {  	_ =	swait.ge @!p0 [sflag:s0], s1  }
0x115: {  	s1 =	ssub.s32 @!p0 $0x0, s1;
	[sflag:s0] =	ssyncset.done @!p0 $0x0  }
0x116: {  	[sflag:s0] =	ssyncadd.s32 @!p0 s1  }
0x117: {  	[bflag:$0x3] =	sbarrier.arrive $0xFFFF  }
0x118: {  	_ =	shalt  }

</sc_bundles>
